<compile_context>
chip_gen: v7x
topology: tpu7x:2x2x1
jax: 0.10.2.dev20260603
libtpu: 0.0.44.dev20260713+nightly
codegen_flags: <defaults>
</compile_context>

<pallas_src>
import functools

import jax
import jax.numpy as jnp
from jax import lax
from jax.experimental import pallas as pl
from jax.experimental.pallas import tpu as pltpu
from jax.experimental.pallas import tpu_sc as plsc

B, N, D, K = 4, 8192, 2048, 256
BN = 256
NSTEPS = N // BN
def _score_topk_body(x_ref, w_ref, b_ref, probs_ref, idx_ref, s8_scr):
    j = pl.program_id(0)
    xb = x_ref[...].astype(jnp.bfloat16).astype(jnp.float32)
    wv = w_ref[...].astype(jnp.bfloat16).astype(jnp.float32)
    s = jnp.sum(xb * wv, axis=-1) + b_ref[0, 0]

    s8_scr[:, pl.ds(pl.multiple_of(j * BN, BN), BN)] = s

    @pl.when(j == NSTEPS - 1)
    def _finalize():
        scores = s8_scr[...]
        m = jnp.max(scores, axis=1, keepdims=True)
        u = jnp.exp(scores - m)
        ssum = jnp.sum(u, axis=1, keepdims=True)
        p = u / ssum
        probs_ref[...] = p

        iota = lax.broadcasted_iota(jnp.int32, (B, N), 1)
        iota_k = lax.broadcasted_iota(jnp.int32, (B, K), 1)
        neg_inf = jnp.float32(-jnp.inf)

        def body(t, carry):
            vals, acc = carry
            mx = jnp.max(vals, axis=1, keepdims=True)
            idx = jnp.min(jnp.where(vals == mx, iota, N), axis=1,
                          keepdims=True)
            acc = jnp.where(iota_k == t, idx, acc)
            vals = jnp.where(iota == idx, neg_inf, vals)
            return vals, acc

        acc0 = jnp.zeros((B, K), jnp.int32)
        _, acc = lax.fori_loop(0, K, body, (p, acc0))
        idx_ref[...] = acc


_score_topk = pl.pallas_call(
    _score_topk_body,
    grid=(NSTEPS,),
    in_specs=[
        pl.BlockSpec((B, BN, D), lambda j: (0, j, 0)),
        pl.BlockSpec((D,), lambda j: (0,)),
        pl.BlockSpec(memory_space=pltpu.SMEM),
    ],
    out_specs=[
        pl.BlockSpec((B, N), lambda j: (0, 0)),
        pl.BlockSpec((B, K), lambda j: (0, 0)),
    ],
    out_shape=[
        jax.ShapeDtypeStruct((B, N), jnp.float32),
        jax.ShapeDtypeStruct((B, K), jnp.int32),
    ],
    scratch_shapes=[pltpu.VMEM((B, N), jnp.float32)],
)


_NC = 2
_NS = 16
_NW = _NC * _NS
_ROWS = B * K
_RPW = _ROWS // _NW


def _gather_body(x_hbm, idx_hbm, out_hbm, idx_v, rows_v, sem):
    wid = lax.axis_index("s") * _NC + lax.axis_index("c")
    base = wid * _RPW
    pltpu.sync_copy(idx_hbm.at[pl.ds(base, _RPW)], idx_v)
    pltpu.async_copy(x_hbm.at[idx_v], rows_v, sem).wait()
    pltpu.sync_copy(rows_v, out_hbm.at[pl.ds(base, _RPW)])


@functools.lru_cache(maxsize=None)
def _make_gather():
    return pl.kernel(
        _gather_body,
        out_type=jax.ShapeDtypeStruct((_ROWS, D), jnp.float32),
        mesh=plsc.VectorSubcoreMesh(core_axis_name="c", subcore_axis_name="s",
                                    num_cores=_NC, num_subcores=_NS),
        scratch_types=[
            pltpu.VMEM((_RPW,), jnp.int32),
            pltpu.VMEM((_RPW, D), jnp.float32),
            pltpu.SemaphoreType.DMA,
        ],
    )


def kernel(x, W, b):
    probs, idx = _score_topk(x, W, jnp.asarray(b).reshape(1, 1))
    flat = (idx + N * jnp.arange(B, dtype=jnp.int32)[:, None]).reshape(_ROWS)
    rows = _make_gather()(x.reshape(B * N, D), flat)
    selected = rows.reshape(B, K, D)
    return (selected, probs, idx)

# --- scband reference (transcript-rebuilt; emitter-appended) ---
"""Pipeline reference for scband-pointer-network-17841294147655 (READ-ONLY COPY).

The authoritative reference and input builder live on the scoring server;
editing this copy changes nothing except your own understanding.
"""

import jax, jax.numpy as jnp
import numpy as np

K = 256

def setup_inputs(seed: int = 0) -> dict:
    key = jax.random.key(seed)
    k1, k2 = jax.random.split(key, 2)
    x = jax.random.normal(k1, (4, 8192, 2048), dtype=jnp.float32)
    # nn.Linear(input_dim, 1): weight [1, input_dim], bias [1]
    W = jax.random.normal(k2, (2048,), dtype=jnp.float32) * 0.02
    b = jnp.zeros((), dtype=jnp.float32)
    return {"x": x, "W": W, "b": b}

def reference(x, W, b):
    # attn_scores = Linear(x).squeeze(-1) -> [B, N]
    attn_scores = jnp.einsum('bnd,d->bn', x, W) + b
    attn_probs = jax.nn.softmax(attn_scores, axis=1)
    # k = min(self.k, N) = 256
    topk_probs, topk_indices = jax.lax.top_k(attn_probs, K)
    # gather selected tokens: [B, K, D]
    selected = jnp.take_along_axis(x, topk_indices[:, :, None], axis=1)
    return (selected, attn_probs, topk_indices)

if __name__ == "__main__":
    import jax
    _d = setup_inputs()
    print(jax.jit(kernel)(*tuple(_d.values())))

</pallas_src>

<mosaic_0001>
#map = affine_map<(d0, d1) -> (0, 0)>
#map1 = affine_map<(d0, d1) -> (0)>
module attributes {stable_mosaic.version = 14 : i64} {
  func.func @_gather_body(%arg0: i32, %arg1: i32, %arg2: memref<32768x2048xf32, #tpu.memory_space<hbm>>, %arg3: memref<1024xi32, #tpu.memory_space<hbm>>, %arg4: memref<1024x2048xf32, #tpu.memory_space<hbm>>, %arg5: memref<32xi32, #tpu.memory_space<vmem>>, %arg6: memref<32x2048xf32, #tpu.memory_space<vmem>>, %arg7: memref<!tpu.dma_semaphore, #tpu.memory_space<semaphore_mem>>) attributes {dimension_semantics = [#tpu.dimension_semantics<core_parallel>, #tpu.dimension_semantics<subcore_parallel>], iteration_bounds = array<i64: 2, 16>, scalar_prefetch = 0 : i64, scratch_operands = 3 : i64, tpu.core_type = #tpu.core_type<sc_vector_subcore>, window_params = [{transform_indices = #map}, {transform_indices = #map1}, {transform_indices = #map}]} {
    %mul3A = arith.constant 2 : i32
    %mul3A_0 = arith.muli %arg1, %mul3A : i32
    %add3A = arith.addi %mul3A_0, %arg0 : i32
    %mul3A_1 = arith.constant 32 : i32
    %mul3A_2 = arith.muli %add3A, %mul3A_1 : i32
    "tpu.region"() ({
      %run_scoped3A = tpu.sem_alloc : memref<!tpu.dma_semaphore, #tpu.memory_space<semaphore_mem>>
      %dma_start3A_7 = tpu.memref_slice %arg3[%mul3A_2] : memref<1024xi32, #tpu.memory_space<hbm>> -> memref<32xi32, #tpu.memory_space<hbm>>
      %dma_start3A_8 = tpu.memref_slice %arg3[%mul3A_2] : memref<1024xi32, #tpu.memory_space<hbm>> -> memref<32xi32, #tpu.memory_space<hbm>>
      tpu.enqueue_dma source(%dma_start3A_8 : memref<32xi32, #tpu.memory_space<hbm>>) target(%arg5 : memref<32xi32, #tpu.memory_space<vmem>>) target_semaphore(%run_scoped3A : memref<!tpu.dma_semaphore, #tpu.memory_space<semaphore_mem>>)
      %dma_wait3A_9 = tpu.memref_slice %arg3[%mul3A_2] : memref<1024xi32, #tpu.memory_space<hbm>> -> memref<32xi32, #tpu.memory_space<hbm>>
      %dma_wait3A_10 = tpu.memref_slice %arg3[%mul3A_2] : memref<1024xi32, #tpu.memory_space<hbm>> -> memref<32xi32, #tpu.memory_space<hbm>>
      tpu.wait_dma2 semaphore(%run_scoped3A : memref<!tpu.dma_semaphore, #tpu.memory_space<semaphore_mem>>) src(%dma_wait3A_10 : memref<32xi32, #tpu.memory_space<hbm>>) dst(%arg5 : memref<32xi32, #tpu.memory_space<vmem>>)
      tpu.yield
    }) : () -> ()
    %dma_start3A = arith.constant 0 : i32
    %dma_start3A_3 = arith.constant 0 : i32
    %dma_start3A_4 = tpu.memref_slice %arg2[%dma_start3A, %dma_start3A_3] : memref<32768x2048xf32, #tpu.memory_space<hbm>> -> memref<32768x2048xf32, #tpu.memory_space<hbm>>
    tpu.enqueue_indirect_dma source(%dma_start3A_4 : memref<32768x2048xf32, #tpu.memory_space<hbm>>) target(%arg6 : memref<32x2048xf32, #tpu.memory_space<vmem>>) offsets(%arg5 : memref<32xi32, #tpu.memory_space<vmem>>) semaphore(%arg7 : memref<!tpu.dma_semaphore, #tpu.memory_space<semaphore_mem>>)
    %dma_wait3A = arith.constant 0 : i32
    %dma_wait3A_5 = arith.constant 0 : i32
    %dma_wait3A_6 = tpu.memref_slice %arg2[%dma_wait3A, %dma_wait3A_5] : memref<32768x2048xf32, #tpu.memory_space<hbm>> -> memref<32768x2048xf32, #tpu.memory_space<hbm>>
    tpu.wait_indirect_dma semaphore(%arg7 : memref<!tpu.dma_semaphore, #tpu.memory_space<semaphore_mem>>) src(%dma_wait3A_6 : memref<32768x2048xf32, #tpu.memory_space<hbm>>) dst(%arg6 : memref<32x2048xf32, #tpu.memory_space<vmem>>)
    "tpu.region"() ({
      %run_scoped3A = tpu.sem_alloc : memref<!tpu.dma_semaphore, #tpu.memory_space<semaphore_mem>>
      %dma_start3A_7 = arith.constant 0 : i32
      %dma_start3A_8 = tpu.memref_slice %arg4[%mul3A_2, %dma_start3A_7] : memref<1024x2048xf32, #tpu.memory_space<hbm>> -> memref<32x2048xf32, #tpu.memory_space<hbm>>
      %dma_start3A_9 = arith.constant 0 : i32
      %dma_start3A_10 = tpu.memref_slice %arg4[%mul3A_2, %dma_start3A_9] : memref<1024x2048xf32, #tpu.memory_space<hbm>> -> memref<32x2048xf32, #tpu.memory_space<hbm>>
      tpu.enqueue_dma source(%arg6 : memref<32x2048xf32, #tpu.memory_space<vmem>>) target(%dma_start3A_10 : memref<32x2048xf32, #tpu.memory_space<hbm>>) target_semaphore(%run_scoped3A : memref<!tpu.dma_semaphore, #tpu.memory_space<semaphore_mem>>)
      %dma_wait3A_11 = arith.constant 0 : i32
      %dma_wait3A_12 = tpu.memref_slice %arg4[%mul3A_2, %dma_wait3A_11] : memref<1024x2048xf32, #tpu.memory_space<hbm>> -> memref<32x2048xf32, #tpu.memory_space<hbm>>
      %dma_wait3A_13 = arith.constant 0 : i32
      %dma_wait3A_14 = tpu.memref_slice %arg4[%mul3A_2, %dma_wait3A_13] : memref<1024x2048xf32, #tpu.memory_space<hbm>> -> memref<32x2048xf32, #tpu.memory_space<hbm>>
      tpu.wait_dma2 semaphore(%run_scoped3A : memref<!tpu.dma_semaphore, #tpu.memory_space<semaphore_mem>>) src(%arg6 : memref<32x2048xf32, #tpu.memory_space<vmem>>) dst(%dma_wait3A_14 : memref<32x2048xf32, #tpu.memory_space<hbm>>)
      tpu.yield
    }) : () -> ()
    return
  }
}

module attributes {stable_mosaic.version = 14 : i64} {
  func.func @_score_topk_body(%arg0: i32, %arg1: memref<4x256x2048xf32, #tpu.memory_space<vmem>>, %arg2: memref<2048xf32, #tpu.memory_space<vmem>>, %arg3: memref<1x1xf32, #tpu.memory_space<smem>>, %arg4: memref<4x8192xf32, #tpu.memory_space<vmem>>, %arg5: memref<4x256xi32, #tpu.memory_space<vmem>>, %arg6: memref<4x8192xf32, #tpu.memory_space<vmem>>) attributes {dimension_semantics = [#tpu.dimension_semantics<arbitrary>], iteration_bounds = array<i64: 32>, scalar_prefetch = 0 : i64, scratch_operands = 1 : i64, tpu.core_type = #tpu.core_type<tc>, window_params = [{transform_indices = @transform_0, window_bounds = array<i64: 4, 256, 2048>}, {pipeline_mode = #tpu.pipeline_mode<synchronous>, transform_indices = @transform_1, window_bounds = array<i64: 2048>}, {transform_indices = @transform_2, window_bounds = array<i64: 1, 1>}, {pipeline_mode = #tpu.pipeline_mode<synchronous>, transform_indices = @transform_3, window_bounds = array<i64: 4, 8192>}, {pipeline_mode = #tpu.pipeline_mode<synchronous>, transform_indices = @transform_4, window_bounds = array<i64: 4, 256>}]} {
    %get3A = arith.constant 0 : index
    %get3A_0 = arith.constant 0 : index
    %get3A_1 = arith.constant 0 : index
    %get3A_2 = vector.load %arg1[%get3A, %get3A_0, %get3A_1] : memref<4x256x2048xf32, #tpu.memory_space<vmem>>, vector<4x256x2048xf32>
    %convert_element_type3A = arith.truncf %get3A_2 : vector<4x256x2048xf32> to vector<4x256x2048xbf16>
    %convert_element_type3A_3 = arith.extf %convert_element_type3A : vector<4x256x2048xbf16> to vector<4x256x2048xf32>
    %get3A_4 = arith.constant 0 : index
    %get3A_5 = vector.load %arg2[%get3A_4] : memref<2048xf32, #tpu.memory_space<vmem>>, vector<2048xf32>
    %convert_element_type3A_6 = arith.truncf %get3A_5 : vector<2048xf32> to vector<2048xbf16>
    %convert_element_type3A_7 = arith.extf %convert_element_type3A_6 : vector<2048xbf16> to vector<2048xf32>
    %broadcast_in_dim3A = vector.shape_cast %convert_element_type3A_7 : vector<2048xf32> to vector<1x1x2048xf32>
    %mul3A = vector.broadcast %broadcast_in_dim3A : vector<1x1x2048xf32> to vector<4x256x2048xf32>
    %mul3A_8 = arith.mulf %convert_element_type3A_3, %mul3A : vector<4x256x2048xf32>
    %reduce_sum3A = arith.constant dense<0.000000e+00> : vector<4x256xf32>
    %reduce_sum3A_9 = vector.multi_reduction <add>, %mul3A_8, %reduce_sum3A [2] : vector<4x256x2048xf32> to vector<4x256xf32>
    %get3A_10 = arith.constant 0 : index
    %get3A_11 = arith.constant 0 : index
    %get3A_12 = memref.load %arg3[%get3A_10, %get3A_11] : memref<1x1xf32, #tpu.memory_space<smem>>
    %add3A = vector.broadcast %get3A_12 : f32 to vector<4x256xf32>
    %add3A_13 = arith.addf %reduce_sum3A_9, %add3A : vector<4x256xf32>
    %mul3A_14 = arith.constant 256 : i32
    %mul3A_15 = arith.muli %arg0, %mul3A_14 : i32
    %multiple_of3A = tpu.assume_multiple %mul3A_15, 256 : i32
    %swap3A = arith.constant 0 : index
    %swap3A_16 = arith.index_cast %multiple_of3A : i32 to index
    %swap3A_17 = vector.load %arg6[%swap3A, %swap3A_16] : memref<4x8192xf32, #tpu.memory_space<vmem>>, vector<4x256xf32>
    tpu.vector_store %arg6[%swap3A, %swap3A_16], %add3A_13 {strides = array<i32>} : memref<4x8192xf32, #tpu.memory_space<vmem>>, vector<4x256xf32>,
    %eq3A = arith.constant 31 : i32
    %eq3A_18 = arith.cmpi eq, %arg0, %eq3A : i32
    %convert_element_type3A_19 = arith.extui %eq3A_18 : i1 to i32
    %cond3A = arith.constant 0 : i32
    %cond3A_20 = arith.cmpi ne, %convert_element_type3A_19, %cond3A : i32
    scf.if %cond3A_20 {
      %get3A_21 = arith.constant 0 : index
      %get3A_22 = arith.constant 0 : index
      %get3A_23 = vector.load %arg6[%get3A_21, %get3A_22] : memref<4x8192xf32, #tpu.memory_space<vmem>>, vector<4x8192xf32>
      %reduce_max3A = arith.constant dense<0xFF800000> : vector<4xf32>
      %reduce_max3A_24 = vector.multi_reduction <maximumf>, %get3A_23, %reduce_max3A [1] : vector<4x8192xf32> to vector<4xf32>
      %broadcast_in_dim3A_25 = vector.shape_cast %reduce_max3A_24 : vector<4xf32> to vector<4x1xf32>
      %sub3A = vector.broadcast %broadcast_in_dim3A_25 : vector<4x1xf32> to vector<4x8192xf32>
      %sub3A_26 = arith.subf %get3A_23, %sub3A : vector<4x8192xf32>
      %exp3A = math.exp %sub3A_26 : vector<4x8192xf32>
      %reduce_sum3A_27 = arith.constant dense<0.000000e+00> : vector<4xf32>
      %reduce_sum3A_28 = vector.multi_reduction <add>, %exp3A, %reduce_sum3A_27 [1] : vector<4x8192xf32> to vector<4xf32>
      %broadcast_in_dim3A_29 = vector.shape_cast %reduce_sum3A_28 : vector<4xf32> to vector<4x1xf32>
      %div3A = vector.broadcast %broadcast_in_dim3A_29 : vector<4x1xf32> to vector<4x8192xf32>
      %div3A_30 = arith.divf %exp3A, %div3A : vector<4x8192xf32>
      %swap3A_31 = arith.constant 0 : index
      %swap3A_32 = arith.constant 0 : index
      %swap3A_33 = vector.load %arg4[%swap3A_31, %swap3A_32] : memref<4x8192xf32, #tpu.memory_space<vmem>>, vector<4x8192xf32>
      tpu.vector_store %arg4[%swap3A_31, %swap3A_32], %div3A_30 {strides = array<i32>} : memref<4x8192xf32, #tpu.memory_space<vmem>>, vector<4x8192xf32>,
      %iota3A = tpu.iota {dimensions = array<i32: 1>} : vector<4x8192xi32>
      %iota3A_34 = tpu.iota {dimensions = array<i32: 1>} : vector<4x256xi32>
      %broadcast_in_dim3A_35 = arith.constant 0 : i32
      %broadcast_in_dim3A_36 = vector.broadcast %broadcast_in_dim3A_35 : i32 to vector<4x256xi32>
      %scan3A = arith.constant 0xFF800000 : f32
      %scan3A_37 = arith.constant 0 : i32
      %scan3A_38 = arith.constant 256 : i32
      %scan3A_39 = arith.addi %scan3A_37, %scan3A_38 : i32
      %scan3A_40 = arith.constant 1 : i32
      %scan3A_41:2 = scf.for %scan3A_46 = %scan3A_37 to %scan3A_39 step %scan3A_40 iter_args(%scan3A_47 = %div3A_30, %scan3A_48 = %broadcast_in_dim3A_36) -> (vector<4x8192xf32>, vector<4x256xi32>)  : i32 {
        %reduce_max3A_49 = arith.constant dense<0xFF800000> : vector<4xf32>
        %reduce_max3A_50 = vector.multi_reduction <maximumf>, %scan3A_47, %reduce_max3A_49 [1] : vector<4x8192xf32> to vector<4xf32>
        %broadcast_in_dim3A_51 = vector.shape_cast %reduce_max3A_50 : vector<4xf32> to vector<4x1xf32>
        %eq3A_52 = vector.broadcast %broadcast_in_dim3A_51 : vector<4x1xf32> to vector<4x8192xf32>
        %eq3A_53 = arith.cmpf oeq, %scan3A_47, %eq3A_52 : vector<4x8192xf32>
        %jit3A = arith.constant 8192 : i32
        %broadcast_in_dim3A_54 = vector.broadcast %jit3A : i32 to vector<4x8192xi32>
        %select_n3A = arith.select %eq3A_53, %iota3A, %broadcast_in_dim3A_54 : vector<4x8192xi1>, vector<4x8192xi32>
        %reduce_min3A = arith.constant dense<2147483647> : vector<4xi32>
        %reduce_min3A_55 = vector.multi_reduction <minsi>, %select_n3A, %reduce_min3A [1] : vector<4x8192xi32> to vector<4xi32>
        %broadcast_in_dim3A_56 = vector.shape_cast %reduce_min3A_55 : vector<4xi32> to vector<4x1xi32>
        %eq3A_57 = vector.broadcast %scan3A_46 : i32 to vector<4x256xi32>
        %eq3A_58 = arith.cmpi eq, %iota3A_34, %eq3A_57 : vector<4x256xi32>
        %broadcast_in_dim3A_59 = vector.shape_cast %broadcast_in_dim3A_56 : vector<4x1xi32> to vector<4x1xi32>
        %broadcast_in_dim3A_60 = vector.broadcast %broadcast_in_dim3A_59 : vector<4x1xi32> to vector<4x256xi32>
        %select_n3A_61 = arith.select %eq3A_58, %broadcast_in_dim3A_60, %scan3A_48 : vector<4x256xi1>, vector<4x256xi32>
        %eq3A_62 = vector.broadcast %broadcast_in_dim3A_56 : vector<4x1xi32> to vector<4x8192xi32>
        %eq3A_63 = arith.cmpi eq, %iota3A, %eq3A_62 : vector<4x8192xi32>
        %broadcast_in_dim3A_64 = vector.broadcast %scan3A : f32 to vector<4x8192xf32>
        %select_n3A_65 = arith.select %eq3A_63, %broadcast_in_dim3A_64, %scan3A_47 : vector<4x8192xi1>, vector<4x8192xf32>
        scf.yield %select_n3A_65, %select_n3A_61 : vector<4x8192xf32>, vector<4x256xi32>
      }
      %scan3A_42 = arith.constant 256 : i32
      %swap3A_43 = arith.constant 0 : index
      %swap3A_44 = arith.constant 0 : index
      %swap3A_45 = vector.load %arg5[%swap3A_43, %swap3A_44] : memref<4x256xi32, #tpu.memory_space<vmem>>, vector<4x256xi32>
      tpu.vector_store %arg5[%swap3A_43, %swap3A_44], %scan3A_41#1 {strides = array<i32>} : memref<4x256xi32, #tpu.memory_space<vmem>>, vector<4x256xi32>,
    } else {
    }
    return
  }
  func.func @transform_0(%arg0: i32) -> (i32, i32, i32) {
    %c0_i32 = arith.constant 0 : i32
    %c0_i32_0 = arith.constant 0 : i32
    %c0_i32_1 = arith.constant 0 : i32
    return %c0_i32, %arg0, %c0_i32_0 : i32, i32, i32
  }
  func.func @transform_1(%arg0: i32) -> i32 {
    %c0_i32 = arith.constant 0 : i32
    %c0_i32_0 = arith.constant 0 : i32
    return %c0_i32 : i32
  }
  func.func @transform_2(%arg0: i32) -> (i32, i32) {
    %c0_i32 = arith.constant 0 : i32
    %c0_i32_0 = arith.constant 0 : i32
    %c0_i32_1 = arith.constant 0 : i32
    return %c0_i32, %c0_i32_0 : i32, i32
  }
  func.func @transform_3(%arg0: i32) -> (i32, i32) {
    %c0_i32 = arith.constant 0 : i32
    %c0_i32_0 = arith.constant 0 : i32
    %c0_i32_1 = arith.constant 0 : i32
    return %c0_i32, %c0_i32_0 : i32, i32
  }
  func.func @transform_4(%arg0: i32) -> (i32, i32) {
    %c0_i32 = arith.constant 0 : i32
    %c0_i32_0 = arith.constant 0 : i32
    %c0_i32_1 = arith.constant 0 : i32
    return %c0_i32, %c0_i32_0 : i32, i32
  }
}

</mosaic_0001>

<sc_bundles>
// kernel: kernel.4.cloned.1.call-start
scs
__scs_entry_jumppad:
0x0: {  	(pc) =	sbr.rel $0x88, $3  }
0x1: {  	(tag) =	ssettag $0x0;
	lr =	simm.s32 $0x1  }
0x2: {  	[smem:$0x3F9E] =	sst lr;
	_ =	strace $0xD0000000  }
0x3: {  	_ = 	snop  }
0x4: {  	_ = 	snop  }
0x5: {  	_ = 	snop  }
0x6: {  	_ = 	snop  }
0x7: {  	_ = 	snop  }
__scs_overlays_trampoline_lowered:
0x8: {  	[smem:$0x3FAD] =	sst s0  }
0x9: {  	[smem:$0x3FAE] =	sst s1  }
0xa: {  	[smem:$0x3FAF] =	sst s2  }
0xb: {  	[smem:$0x3FB0] =	sst s3  }
0xc: {  	[smem:$0x3FB1] =	sst s4  }
0xd: {  	[smem:$0x3FB2] =	sst s5  }
0xe: {  	[smem:$0x3FB3] =	sst s6  }
0xf: {  	[smem:$0x3FB4] =	sst s7  }
0x10: {  	[smem:$0x3FB5] =	sst s8  }
0x11: {  	[smem:$0x3FB6] =	sst s9;
	s0 =	simm.s32 @!p0 $0x0  }
0x12: {  	s1 =	sld [smem:$0x3F9C];
	s0 =	simm.s32 @p0 $0x1  }
0x13: {  	[smem:$0x3FB7] =	sst s0;
	s0 =	simm.s32 @!p1 $0x0  }
0x14: {  	s2 =	sld [smem:$0x3F9B];
	s0 =	simm.s32 @p1 $0x1  }
0x15: {  	[smem:$0x3FB8] =	sst s0;
	s0 =	simm.s32 @!p2 $0x0  }
0x16: {  	s3 =	sld [smem:$0x3FDB];
	s0 =	simm.s32 @p2 $0x1  }
0x17: {  	s4 =	simm.s32 $0x1BF5;
	[smem:$0x3FBA] =	sst s0  }
0x18: {  	s0 =	sld [smem:$0x3F9D];
	_ =	swait.ge [sflag:s4], $0x0  }
0x19: {  	s7 =	sld [smem:$0x3F9E]  }
0x1a: {  	s8 =	sadd.s32 $0xFFFFE003, lr  }
0x1b: {  	s9 =	sadd.s32 $0xFFFFFEF7, lr;
	s5 =	simm.s32 $0xFFFFFFFF;
	p2 =	slt.u32 s8, $0xFFFFF086  }
0x1c: {  	p1 =	slt.u32 s9, $0xF7A;
	s5 =	simm.s32 @!p2 $0x0  }
0x1d: {  	s5 =	simm.s32 @p1 $0x1;
	p0 =	seq.s32 s7, s2  }
0x1e: {  	s7 =	smul.u32 @!p0 $0xF7A, s2;
	p2 =	seq.s32 @!p0 s5, $0x0  }
0x1f: {  	s9 =	smul.u32 $0xF7A, s1;
	s8 =	simm.s32 @!p0 $0x1BF5;
	p2 =	por !p2, p0  }
0x20: {  	[sflag:s8] =	ssyncset.s32 @!p0 $0xFFFFF086;
	s6 =	sadd.s32 @!p0 s3, s7;
	s7 =	simm.s32 @!p0 $0x108  }
0x21: {  	s3 =	sadd.s32 s3, s9;
	s6 =	sadd.s32 @!p0 $0x88, s6;
	s7 =	simm.s32 @p2 $0x1082  }
0x22: {  	[simem:s7], [sflag:s8] =	dma.local @!p0 [hbm:s6], $0xF7A  }
0x23: {  	s9 =	sor.u32 $0xD0000000, s2;
	s6 =	simm.s32 $0x108;
	_ =	swait.ge @!p0 [sflag:s8], $0x0  }
0x24: {  	s3 =	sadd.s32 $0x88, s3;
	s6 =	simm.s32 @!p1 $0x1082;
	[sflag:s4] =	ssyncset.s32 $0xFFFFF086  }
0x25: {  	[simem:s6], [sflag:s4] =	dma.local [hbm:s3], $0xF7A  }
0x26: {  	[smem:$0x3F9E] =	sst s1;
	(tag) =	ssettag s2;
	_ =	strace s9  }
0x27: {  	s1 =	sld [smem:$0x3FAE]  }
0x28: {  	s2 =	sld [smem:$0x3FAF]  }
0x29: {  	s4 =	sld [smem:$0x3FB1]  }
0x2a: {  	p0 =	seq.s32 s5, $0x0;
	s5 =	sld [smem:$0x3FB2]  }
0x2b: {  	s6 =	sld [smem:$0x3FB3]  }
0x2c: {  	s7 =	sld [smem:$0x3FB4]  }
0x2d: {  	s3 =	simm.s32 $0x108;
	s8 =	sld [smem:$0x3FB5]  }
0x2e: {  	s3 =	simm.s32 @!p0 $0x1082;
	s9 =	sld [smem:$0x3FB6]  }
0x2f: {  	lr =	sadd.s32 s0, s3;
	s0 =	sld [smem:$0x3FAD]  }
0x30: {  	s3 =	sld [smem:$0x3FB0]  }
0x31: {  	[smem:$0x3FB9] =	sst s10  }
0x32: {  	s10 =	sld [smem:$0x3FB7];
	_ =	sdelay $0x3  }
0x33: {  	p0 =	seq.s32 s10, $0x1;
	s10 =	sld [smem:$0x3FB9];
	_ =	sdelay $0x3  }
0x34: {  	[smem:$0x3FB9] =	sst s10  }
0x35: {  	s10 =	sld [smem:$0x3FB8];
	_ =	sdelay $0x3  }
0x36: {  	p1 =	seq.s32 s10, $0x1;
	s10 =	sld [smem:$0x3FB9];
	_ =	sdelay $0x3  }
0x37: {  	[smem:$0x3FB9] =	sst s10  }
0x38: {  	s10 =	sld [smem:$0x3FBA]  }
0x39: {  	_ = 	snop;
	(pc) =	sbr.ind lr, $3  }
0x3a: {  	_ = 	snop  }
0x3b: {  	_ = 	snop  }
0x3c: {  	p2 =	seq.s32 s10, $0x1;
	s10 =	sld [smem:$0x3FB9]  }
0x3d: {  	_ =	shalt  }
0x3e: {  	_ =	shalt  }
0x3f: {  	_ =	shalt  }
0x40: {  	_ =	shalt  }
0x41: {  	_ =	shalt  }
0x42: {  	_ =	shalt  }
0x43: {  	_ =	shalt  }
0x44: {  	_ =	shalt  }
0x45: {  	_ =	shalt  }
0x46: {  	_ =	shalt  }
0x47: {  	_ =	shalt  }
0x48: {  	_ =	shalt  }
0x49: {  	_ =	shalt  }
0x4a: {  	_ =	shalt  }
0x4b: {  	_ =	shalt  }
0x4c: {  	_ =	shalt  }
0x4d: {  	_ =	shalt  }
0x4e: {  	_ =	shalt  }
0x4f: {  	_ =	shalt  }
0x50: {  	_ =	shalt  }
0x51: {  	_ =	shalt  }
0x52: {  	_ =	shalt  }
0x53: {  	_ =	shalt  }
0x54: {  	_ =	shalt  }
0x55: {  	_ =	shalt  }
0x56: {  	_ =	shalt  }
0x57: {  	_ =	shalt  }
0x58: {  	_ =	shalt  }
0x59: {  	_ =	shalt  }
0x5a: {  	_ =	shalt  }
0x5b: {  	_ =	shalt  }
0x5c: {  	_ =	shalt  }
0x5d: {  	_ =	shalt  }
0x5e: {  	_ =	shalt  }
0x5f: {  	_ =	shalt  }
0x60: {  	_ =	shalt  }
0x61: {  	_ =	shalt  }
0x62: {  	_ =	shalt  }
0x63: {  	_ =	shalt  }
0x64: {  	_ =	shalt  }
0x65: {  	_ =	shalt  }
0x66: {  	_ =	shalt  }
0x67: {  	_ =	shalt  }
0x68: {  	_ =	shalt  }
0x69: {  	_ =	shalt  }
0x6a: {  	_ =	shalt  }
0x6b: {  	_ =	shalt  }
0x6c: {  	_ =	shalt  }
0x6d: {  	_ =	shalt  }
0x6e: {  	_ =	shalt  }
0x6f: {  	_ =	shalt  }
0x70: {  	_ =	shalt  }
0x71: {  	_ =	shalt  }
0x72: {  	_ =	shalt  }
0x73: {  	_ =	shalt  }
0x74: {  	_ =	shalt  }
0x75: {  	_ =	shalt  }
0x76: {  	_ =	shalt  }
0x77: {  	_ =	shalt  }
0x78: {  	_ =	shalt  }
0x79: {  	_ =	shalt  }
0x7a: {  	_ =	shalt  }
0x7b: {  	_ =	shalt  }
0x7c: {  	_ =	shalt  }
0x7d: {  	_ =	shalt  }
0x7e: {  	_ =	shalt  }
0x7f: {  	_ =	shalt  }
0x80: {  	_ =	shalt  }
0x81: {  	_ =	shalt  }
0x82: {  	_ =	shalt  }
0x83: {  	_ =	shalt  }
0x84: {  	_ =	shalt  }
0x85: {  	_ =	shalt  }
0x86: {  	_ =	shalt  }
0x87: {  	_ =	shalt  }
.Lfunc_end0:
.L_simem_size_0:
called_computation_lowered:
.L_overlay_start_0:
0x88: {  	s2 =	sld [smem:$0x3FD9]  }
0x89: {  	s3 =	sld [smem:$0x3FFE];
	_ =	sdelay $0x1  }
0x8a: {  	s1 =	srdreg.scid  }
0x8b: {  	s0 =	sand.u32 $0x1, s1  }
0x8c: {  	s14 =	sshll.u32 s0, $0xA;
	s2 =	sadd.s32 s3, s2  }
0x8d: {  	s2 =	sadd.s32 s2, s14  }
0x8e: {  	[smem:$0x3FC5] =	sst s2  }
0x8f: {  	_ = 	snop  }
0x90: {  	s2 =	sld [smem:$0x3FD0];
	_ =	sdelay $0x2  }
0x91: {  	s4 =	simm.s32 $0xA;
	s5 =	simm.s32 $0x10;
	s15 =	sld [smem:$0x3FC9]  }
0x92: {  	[smem:s5], [sflag:s4] =	dma.local [hbm:s2], $0x1  }
0x93: {  	_ =	swait.eq [sflag:s4], $0x1  }
0x94: {  	[sflag:s4] =	ssyncset.done $0x0  }
0x95: {  	[sflag:s4] =	ssyncadd.s32 $0xFFFFFFFF  }
0x96: {  	s16 =	sld [smem:$0x10];
	(tm) =	ssettm $0x1  }
0x97: {  	s17 =	sld [smem:$0x3FFB];
	_ =	sdelay $0x3  }
0x98: {  	_ =	strace s17  }
0x99: {  	s4 =	sld [smem:$0x3FFC];
	_ =	sdelay $0x3  }
0x9a: {  	_ =	strace s4  }
0x9b: {  	s4 =	sld [smem:$0x3FFD];
	_ =	sdelay $0x3  }
0x9c: {  	_ =	strace s4  }
0x9d: {  	_ =	strace $0x8FFFFFFF  }
0x9e: {  	s18 =	sld [smem:$0x3FDB];
	_ =	sdelay $0x1  }
0x9f: {  	s19 =	simm.s32 $_scs_section_size  }
0xa0: {  	s6 =	simm.s32 $_size__tile_overlayer_lowered;
	s7 =	simm.s32 $_tile_overlayer_lowered  }
0xa1: {  	s22 =	simm.s32 $0x1BFF;
	s21 =	sshll.u32 s7, $0x1;
	s4 =	sadd.s32 s19, s18  }
0xa2: {  	s8 =	simm.s32 $0x0;
	s20 =	sshll.u32 s6, $0x1;
	s6 =	sadd.s32 s21, s4  }
0xa3: {  	[timem:s8], [sflag:s22] =	dma.local [hbm:s6], s20  }
0xa4: {  	_ =	swait.ge [sflag:s22], s20  }
0xa5: {  	s5 =	ssub.s32 $0x0, s20;
	[sflag:s22] =	ssyncset.done $0x0  }
0xa6: {  	[sflag:s22] =	ssyncadd.s32 s5;
	_ =	sdelay $0x1  }
0xa7: {  	s23 =	simm.s32 $0x1B8B  }
0xa8: {  	_ =	swait.ge [sflag:s23], $0x1  }
0xa9: {  	[sflag:s23] =	ssyncset.done $0x0  }
0xaa: {  	s25 =	simm.s32 $0x1B8E;
	s24 =	sld [smem:$0x3FFE];
	[sflag:s23] =	ssyncadd.s32 $0xFFFFFFFF  }
0xab: {  	s26 =	simm.s32 $execute0_lowered;
	[smem:$0x3FD2] =	sst s25  }
0xac: {  	s6 =	sshll.u32 s26, $0x1;
	_ =	strace $0x80000046;
	[dreg:$0x1] =	wrdreg $0xFFFFFFFF  }
0xad: {  	s28 =	simm.s32 $_size_execute0_lowered;
	s4 =	sadd.s32 s4, s6;
	[dreg:$0x0] =	wrdreg $0x0  }
0xae: {  	s6 =	sshll.u32 s28, $0x1;
	[dreg:$0x2] =	wrdreg s4  }
0xaf: {  	[dreg:$0x3] =	wrdreg s6  }
0xb0: {  	[dreg:$0x4] =	wrdreg $0xC0  }
0xb1: {  	_ =	task [dreg:s8], $0x5FFFF  }
0xb2: {  	[dreg:$0x1] =	wrdreg $0xFFFFFFFF  }
0xb3: {  	[dreg:$0x0] =	wrdreg $0x60  }
0xb4: {  	[dreg:$0x2] =	wrdreg s15  }
0xb5: {  	[dreg:$0x3] =	wrdreg s24  }
0xb6: {  	[dreg:$0x4] =	wrdreg s16  }
0xb7: {  	[dreg:$0x5] =	wrdreg $0x9  }
0xb8: {  	_ =	task.clear_ibuf [dreg:s8], $0x6FFFF;
	_ =	strace $0x90000046  }
0xb9: {  	s29 =	simm.s32 $0x9;
	_ =	strace $0x80000048  }
0xba: {  	_ =	swait.ge [sflag:s29], $0x1  }
0xbb: {  	[sflag:s29] =	ssyncadd.s32 $0xFFFFFFFF  }
0xbc: {  	_ =	strace $0x90000048  }
0xbd: {  	_ =	sfence  }
0xbe: {  	s30 =	sld [smem:$0x0];
	_ =	sdelay $0x2  }
0xbf: {  	s31 =	sshll.u32 s1, $0xD;
	s1 =	sshrl.u32 s1, $0x2  }
0xc0: {  	s3 =	sand.u32 $0x4000, s31;
	s1 =	sadd.s32 s1, s30  }
0xc1: {  	s0 =	sor.u32 s3, s0;
	s1 =	sshll.u32 s1, $0x11  }
0xc2: {  	s0 =	sor.u32 s1, s0  }
0xc3: {  	s0 =	sadd.s32 $0x8F2B, s0  }
0xc4: {  	[sflag:s0] =	ssyncadd.remote.s32 $0x1  }
0xc5: {  	_ =	sfence.sel $0xFFFF  }
0xc6: {  	[dreg:$0x0] =	wrdreg $0xFFFFFFFF;
	(pc) =	sbr.abs _section_cstart, $3  }
0xc7: {  	[dreg:$0x1] =	wrdreg $0xFFFFFFFF  }
0xc8: {  	_ =	task.clear_ibuf [dreg:s8], $0x2FFFF;
	_ =	strace $0x9FFFFFFF  }
0xc9: {  	(tm) =	ssettm $0x7FFFFFFF  }
tec
execute0_lowered:
.L_overlay_start_1:
0x0: {  	(tag) =	ssettag $0x1  }
0x1: {  	s1 =	rddreg [dreg:$0x0]  }
0x2: {  	s2 =	srdreg.scid;
	s4 =	rddreg [dreg:$0x1]  }
0x3: {  	s0 =	stileid.u32;
	s6 =	rddreg [dreg:$0x2]  }
0x4: {  	s17 =	simm.s32 $0x880;
	s18 =	simm.s32 $0x1080;
	s19 =	simm.s32 $0x1880  }
0x5: {  	s20 =	simm.s32 $0x2080;
	s22 =	simm.s32 $0x2880;
	s2 =	sand.u32 $0x1, s2  }
0x6: {  	s23 =	simm.s32 $0x3080;
	s3 =	sshll.u32 s0, $0x6;
	s5 =	sshll.u32 s2, $0x5  }
0x7: {  	s24 =	simm.s32 $0x3880;
	s5 =	sor.u32 s5, s3;
	s3 =	simm.s32 $0x0  }
0x8: {  	s25 =	simm.s32 $0x4080;
	s8 =	simm.s32 $0x4880;
	[smem:$0x7FF] =	sst s3  }
0x9: {  	s9 =	simm.s32 $0x5080;
	_ =	strace $0x80000047;
	[dreg:$0x6] =	wrdreg s17  }
0xa: {  	s10 =	simm.s32 $0x5880;
	s11 =	simm.s32 $0x6080;
	[dreg:$0x7] =	wrdreg s18  }
0xb: {  	s12 =	simm.s32 $0x6880;
	s26 =	simm.s32 $0x7080;
	[dreg:$0x8] =	wrdreg s19  }
0xc: {  	s13 =	simm.s32 $0x80;
	s15 =	simm.s32 $0x8080;
	[dreg:$0x9] =	wrdreg s20  }
0xd: {  	s28 =	simm.s32 $0xE080;
	s29 =	simm.s32 $0xE880;
	[dreg:$0xa] =	wrdreg s22  }
0xe: {  	s30 =	simm.s32 $0xF080;
	s2 =	ssub.s32 $0x2, s2;
	[dreg:$0xb] =	wrdreg s23  }
0xf: {  	s31 =	simm.s32 $0xF880;
	s21 =	sshrl.u32 s2, $0x1;
	[dreg:$0xc] =	wrdreg s24  }
0x10: {  	s7 =	sshrl.u32 s5, $0x3;
	s5 =	sshll.u32 s5, $0x8;
	[dreg:$0xd] =	wrdreg s25  }
0x11: {  	s2 =	ssub.s32 s2, s21;
	s21 =	simm.s32 $0xB080;
	[dreg:$0xe] =	wrdreg s8  }
0x12: {  	s4 =	sadd.s32 s7, s4;
	s16 =	sadd.s32 s6, s5;
	[dreg:$0xf] =	wrdreg s9  }
0x13: {  	s5 =	sadd.s32 $0x200, s1;
	s6 =	sadd.s32 $0x300, s1;
	[dreg:$0x10] =	wrdreg s10  }
0x14: {  	s7 =	sadd.s32 $0x400, s1;
	s8 =	sadd.s32 $0x500, s1;
	[dreg:$0x11] =	wrdreg s11  }
0x15: {  	s9 =	sadd.s32 $0x600, s1;
	s10 =	sadd.s32 $0x700, s1;
	[dreg:$0x12] =	wrdreg s12  }
0x16: {  	s11 =	smax.u32 s2, $0x1;
	s12 =	simm.s32 $0x2;
	[dreg:$0x13] =	wrdreg s26  }
0x17: {  	s17 =	simm.s32 $0x9080;
	s18 =	simm.s32 $0x9880;
	s19 =	simm.s32 $0xA080  }
0x18: {  	s20 =	simm.s32 $0xA880;
	s22 =	simm.s32 $0xB880;
	s23 =	simm.s32 $0xC080  }
0x19: {  	v2 =	vlaneseq.u32;
	s24 =	simm.s32 $0xC880;
	s25 =	simm.s32 $0xD080;
	s26 =	simm.s32 $0xD880  }
0x1a: {  	vm0 =	vmmov $0xffff;
	v1 =	vshrl.u32 v2, $0x3;
	s2 =	simm.s32 $0x1;
	s4 =	sadd.s32 $0x800, s4;
	[dreg:$0x5] =	wrdreg s16  }
0x1b: {  	v0 =	vand.u32 $0x7, v2;
	v2 =	vor.u32 $0x8, v2;
	v1 =	vmul.u32 $0x8, v1;
	s16 =	simm.s32 $0x8880;
	[dreg:$0x4] =	wrdreg s4;
	s4 =	sadd.s32 $0x100, s1  }
.LBB2_1:
0x1c: {  	s0 =	rddreg [dreg:$0x4]  }
0x1d: {  	[tilespmem:s3], [sflag:$0x2] =	stream.linear.gather [hbm4b:s0+s3], $0x20, $0x38;
	[tilespmem:$0x10080] =	vst v63  }
0x1e: {  	_ =	swait.ge [sflag:s12], $0x20  }
0x1f: {  	[sflag:s12] =	ssyncset.done $0x0  }
0x20: {  	[sflag:s12] =	ssyncadd.s32 $0xFFFFFFE0  }
0x21: {  	v3 =	vld [tilespmem:$0x0];
	_ =	sdelay $0x4  }
0x22: {  	v4 =	vshll.u32 v3, $0x4  }
0x23: {  	v3 =	vand.u32 $0x7, v3;
	v4 =	vand.u32 $0xFFFFFF80, v4  }
0x24: {  	v3 =	vor.u32 v3, v4  }
0x25: {  	v4 =	vperm.xlane v3, v0;
	_ =	sdelay $0x1  }
0x26: {  	v4 =	vadd.s32 v1, v4;
	_ =	sdelay $0x4  }
0x27: {  	[tilespmem:s13], [sflag:$0x1] =	stream.indirect_vreg.gather [hbm4b:s1+s3], $0x80, v4, vm0, $0xb8;
	[tilespmem:$0x10080] =	vst v63  }
0x28: {  	s0 =	rddreg [dreg:$0x6]  }
0x29: {  	[tilespmem:s0], [sflag:$0x1] =	stream.indirect_vreg.gather [hbm4b:s4+s3], $0x80, v4, vm0, $0xb8;
	[tilespmem:$0x10080] =	vst v63  }
0x2a: {  	s14 =	rddreg [dreg:$0x7]  }
0x2b: {  	[tilespmem:s14], [sflag:$0x1] =	stream.indirect_vreg.gather [hbm4b:s5+s3], $0x80, v4, vm0, $0xb8;
	[tilespmem:$0x10080] =	vst v63  }
0x2c: {  	s0 =	rddreg [dreg:$0x8]  }
0x2d: {  	[tilespmem:s0], [sflag:$0x1] =	stream.indirect_vreg.gather [hbm4b:s6+s3], $0x80, v4, vm0, $0xb8;
	[tilespmem:$0x10080] =	vst v63  }
0x2e: {  	s14 =	rddreg [dreg:$0x9]  }
0x2f: {  	[tilespmem:s14], [sflag:$0x1] =	stream.indirect_vreg.gather [hbm4b:s7+s3], $0x80, v4, vm0, $0xb8;
	[tilespmem:$0x10080] =	vst v63  }
0x30: {  	v3 =	vperm.xlane v3, v2;
	s0 =	rddreg [dreg:$0xa]  }
0x31: {  	[tilespmem:s0], [sflag:$0x1] =	stream.indirect_vreg.gather [hbm4b:s8+s3], $0x80, v4, vm0, $0xb8;
	[tilespmem:$0x10080] =	vst v63  }
0x32: {  	v3 =	vadd.s32 v1, v3;
	s14 =	rddreg [dreg:$0xb]  }
0x33: {  	[tilespmem:s14], [sflag:$0x1] =	stream.indirect_vreg.gather [hbm4b:s9+s3], $0x80, v4, vm0, $0xb8;
	[tilespmem:$0x10080] =	vst v63  }
0x34: {  	s0 =	rddreg [dreg:$0xc]  }
0x35: {  	[tilespmem:s0], [sflag:$0x1] =	stream.indirect_vreg.gather [hbm4b:s10+s3], $0x80, v4, vm0, $0xb8;
	[tilespmem:$0x10080] =	vst v63  }
0x36: {  	s14 =	rddreg [dreg:$0xd]  }
0x37: {  	[tilespmem:s14], [sflag:$0x1] =	stream.indirect_vreg.gather [hbm4b:s1+s3], $0x80, v3, vm0, $0xb8;
	[tilespmem:$0x10080] =	vst v63  }
0x38: {  	s0 =	rddreg [dreg:$0xe]  }
0x39: {  	[tilespmem:s0], [sflag:$0x1] =	stream.indirect_vreg.gather [hbm4b:s4+s3], $0x80, v3, vm0, $0xb8;
	[tilespmem:$0x10080] =	vst v63  }
0x3a: {  	s14 =	rddreg [dreg:$0xf]  }
0x3b: {  	[tilespmem:s14], [sflag:$0x1] =	stream.indirect_vreg.gather [hbm4b:s5+s3], $0x80, v3, vm0, $0xb8;
	[tilespmem:$0x10080] =	vst v63  }
0x3c: {  	s0 =	rddreg [dreg:$0x10]  }
0x3d: {  	[tilespmem:s0], [sflag:$0x1] =	stream.indirect_vreg.gather [hbm4b:s6+s3], $0x80, v3, vm0, $0xb8;
	[tilespmem:$0x10080] =	vst v63  }
0x3e: {  	s14 =	rddreg [dreg:$0x11]  }
0x3f: {  	[tilespmem:s14], [sflag:$0x1] =	stream.indirect_vreg.gather [hbm4b:s7+s3], $0x80, v3, vm0, $0xb8;
	[tilespmem:$0x10080] =	vst v63  }
0x40: {  	s0 =	rddreg [dreg:$0x12]  }
0x41: {  	[tilespmem:s0], [sflag:$0x1] =	stream.indirect_vreg.gather [hbm4b:s8+s3], $0x80, v3, vm0, $0xb8;
	[tilespmem:$0x10080] =	vst v63  }
0x42: {  	s14 =	rddreg [dreg:$0x13]  }
0x43: {  	[tilespmem:s14], [sflag:$0x1] =	stream.indirect_vreg.gather [hbm4b:s9+s3], $0x80, v3, vm0, $0xb8;
	[tilespmem:$0x10080] =	vst v63  }
0x44: {  	s14 =	simm.s32 $0x7880  }
0x45: {  	[tilespmem:s14], [sflag:$0x1] =	stream.indirect_vreg.gather [hbm4b:s10+s3], $0x80, v3, vm0, $0xb8;
	[tilespmem:$0x10080] =	vst v63  }
0x46: {  	v3 =	vld [tilespmem:$0x10];
	_ =	sdelay $0x4  }
0x47: {  	v63 =	vshll.u32 v3, $0x4  }
0x48: {  	v3 =	vand.u32 $0x7, v3;
	v4 =	vand.u32 $0xFFFFFF80, v63  }
0x49: {  	v3 =	vor.u32 v3, v4  }
0x4a: {  	v4 =	vperm.xlane v3, v0;
	_ =	sdelay $0x1  }
0x4b: {  	v4 =	vadd.s32 v1, v4;
	_ =	sdelay $0x4  }
0x4c: {  	[tilespmem:s15], [sflag:$0x1] =	stream.indirect_vreg.gather [hbm4b:s1+s3], $0x80, v4, vm0, $0xb8;
	[tilespmem:$0x10080] =	vst v63  }
0x4d: {  	_ = 	snop  }
0x4e: {  	[tilespmem:s16], [sflag:$0x1] =	stream.indirect_vreg.gather [hbm4b:s4+s3], $0x80, v4, vm0, $0xb8;
	[tilespmem:$0x10080] =	vst v63  }
0x4f: {  	_ = 	snop  }
0x50: {  	[tilespmem:s17], [sflag:$0x1] =	stream.indirect_vreg.gather [hbm4b:s5+s3], $0x80, v4, vm0, $0xb8;
	[tilespmem:$0x10080] =	vst v63  }
0x51: {  	_ = 	snop  }
0x52: {  	[tilespmem:s18], [sflag:$0x1] =	stream.indirect_vreg.gather [hbm4b:s6+s3], $0x80, v4, vm0, $0xb8;
	[tilespmem:$0x10080] =	vst v63  }
0x53: {  	_ = 	snop  }
0x54: {  	[tilespmem:s19], [sflag:$0x1] =	stream.indirect_vreg.gather [hbm4b:s7+s3], $0x80, v4, vm0, $0xb8;
	[tilespmem:$0x10080] =	vst v63  }
0x55: {  	v3 =	vperm.xlane v3, v2  }
0x56: {  	[tilespmem:s20], [sflag:$0x1] =	stream.indirect_vreg.gather [hbm4b:s8+s3], $0x80, v4, vm0, $0xb8;
	[tilespmem:$0x10080] =	vst v63  }
0x57: {  	v3 =	vadd.s32 v1, v3  }
0x58: {  	[tilespmem:s21], [sflag:$0x1] =	stream.indirect_vreg.gather [hbm4b:s9+s3], $0x80, v4, vm0, $0xb8;
	[tilespmem:$0x10080] =	vst v63  }
0x59: {  	_ = 	snop  }
0x5a: {  	[tilespmem:s22], [sflag:$0x1] =	stream.indirect_vreg.gather [hbm4b:s10+s3], $0x80, v4, vm0, $0xb8;
	[tilespmem:$0x10080] =	vst v63  }
0x5b: {  	_ = 	snop  }
0x5c: {  	[tilespmem:s23], [sflag:$0x1] =	stream.indirect_vreg.gather [hbm4b:s1+s3], $0x80, v3, vm0, $0xb8;
	[tilespmem:$0x10080] =	vst v63  }
0x5d: {  	_ = 	snop  }
0x5e: {  	[tilespmem:s24], [sflag:$0x1] =	stream.indirect_vreg.gather [hbm4b:s4+s3], $0x80, v3, vm0, $0xb8;
	[tilespmem:$0x10080] =	vst v63  }
0x5f: {  	_ = 	snop  }
0x60: {  	[tilespmem:s25], [sflag:$0x1] =	stream.indirect_vreg.gather [hbm4b:s5+s3], $0x80, v3, vm0, $0xb8;
	[tilespmem:$0x10080] =	vst v63  }
0x61: {  	_ = 	snop  }
0x62: {  	[tilespmem:s26], [sflag:$0x1] =	stream.indirect_vreg.gather [hbm4b:s6+s3], $0x80, v3, vm0, $0xb8;
	[tilespmem:$0x10080] =	vst v63  }
0x63: {  	_ = 	snop  }
0x64: {  	[tilespmem:s28], [sflag:$0x1] =	stream.indirect_vreg.gather [hbm4b:s7+s3], $0x80, v3, vm0, $0xb8;
	[tilespmem:$0x10080] =	vst v63  }
0x65: {  	_ = 	snop  }
0x66: {  	[tilespmem:s29], [sflag:$0x1] =	stream.indirect_vreg.gather [hbm4b:s8+s3], $0x80, v3, vm0, $0xb8;
	[tilespmem:$0x10080] =	vst v63  }
0x67: {  	_ = 	snop  }
0x68: {  	[tilespmem:s30], [sflag:$0x1] =	stream.indirect_vreg.gather [hbm4b:s9+s3], $0x80, v3, vm0, $0xb8;
	[tilespmem:$0x10080] =	vst v63  }
0x69: {  	_ = 	snop  }
0x6a: {  	[tilespmem:s31], [sflag:$0x1] =	stream.indirect_vreg.gather [hbm4b:s10+s3], $0x80, v3, vm0, $0xb8;
	[tilespmem:$0x10080] =	vst v63  }
0x6b: {  	_ =	swait.ge [sflag:s2], $0x10000  }
0x6c: {  	p0 =	sne.s32 s11, $0x1;
	[sflag:s2] =	ssyncset.done $0x0  }
.Ltmp0:
0x6d: {  	s14 =	rddreg [dreg:$0x5];
	[sflag:s2] =	ssyncadd.s32 $0xFFFF0000;
	(pc) =	sbr.rel @p0 .LBB2_1-.Ltmp0, $4  }
0x6e: {  	[hbm4b:s14+s3] =	stream.linear.scatter [tilespmem:s13], [sflag:$0x2], $0x10000, $0x38;
	[tilespmem:$0x10080] =	vst v63  }
0x6f: {  	_ =	swait.ge [sflag:s12], $0x10000  }
0x70: {  	[sflag:s12] =	ssyncset.done $0x0  }
0x71: {  	s11 =	sadd.s32 $0xFFFFFFFF, s11;
	[sflag:s12] =	ssyncadd.s32 $0xFFFF0000  }
0x72: {  	_ =	sfence.sel $0x180000  }
0x73: {  	[bflag:$0x0] =	sbarrier.arrive $0xFFFF  }
0x74: {  	_ =	strace $0x90000047  }
0x75: {  	s0 =	stileid.u32;
	[bflag:$0x2] =	sbarrier.arrive $0xFFFF  }
0x76: {  	p0 =	sne.s32 s0, $0x0;
	s0 =	rddreg [dreg:$0x3]  }
0x77: {  	s0 =	sadd.s32 @!p0 $0x100000, s0  }
0x78: {  	[sflag:s0] =	ssyncadd.tile.s32 @!p0 $0x1;
	_ =	shalt  }
.Lfunc_end2:
_tile_overlayer_lowered:
.L_overlay_start_2:
0x79: {  	(tag) =	ssettag $0x2  }
0x7a: {  	s0 =	rddreg [dreg:$0x0];
	s2 =	stileid.u32  }
0x7b: {  	s1 =	rddreg [dreg:$0x1];
	p0 =	sne.s32 s2, $0x0  }
0x7c: {  	s3 =	rddreg [dreg:$0x2];
	[bflag:$0x3] =	sbarrier.arrive $0xFFFF;
	s2 =	simm.s32 @!p0 $0x1C02  }
0x7d: {  	[timem:s3], [sflag:s2] =	dma.local @!p0 [hbm:s0], s1  }
0x7e: {  	s0 =	simm.s32 @!p0 $0x2  }
0x7f: {  	_ =	swait.ge @!p0 [sflag:s0], s1  }
0x80: {  	s1 =	ssub.s32 @!p0 $0x0, s1;
	[sflag:s0] =	ssyncset.done @!p0 $0x0  }
0x81: {  	[sflag:s0] =	ssyncadd.s32 @!p0 s1  }
0x82: {  	[bflag:$0x3] =	sbarrier.arrive $0xFFFF  }
0x83: {  	_ =	shalt  }

</sc_bundles>
